<compile_context>
chip_gen: v7x
topology: tpu7x:2x2x1
jax: 0.10.2.dev20260603
libtpu: 0.0.44.dev20260713+nightly
codegen_flags: <defaults>
</compile_context>

<pallas_src>
import functools

import jax
import jax.numpy as jnp
from jax import lax
from jax.experimental import pallas as pl
from jax.experimental.pallas import tpu as pltpu
from jax.experimental.pallas import tpu_sc as plsc

VOCAB = 1000000
EMBED_DIM = 64
BATCH = 16384
HIST = 50

_NC = 2
_NS = 16
_NW = _NC * _NS

_TOTAL = BATCH * HIST
_CL = 128
_NBUF = 4
_CHUNKS = _TOTAL // (_NW * _CL)
_G = _CHUNKS // _NBUF
_GROUP_ROWS = _NBUF * _CL


def _emb_body(idx_hbm, table_hbm, out_hbm,
              idx_v, rows0, rows1, gs0, gs1, ws0, ws1):
    c = lax.axis_index("c")
    s = lax.axis_index("s")
    wid = s * _NC + c

    pltpu.sync_copy(idx_hbm.at[wid], idx_v)

    base = wid * _CHUNKS * _CL
    rows = (rows0, rows1)
    gs = (gs0, gs1)
    ws = (ws0, ws1)

    def fire_group(g, p):
        for b in range(_NBUF):
            pltpu.async_copy(
                table_hbm.at[idx_v.at[g * _NBUF + b]],
                rows[p].at[pl.ds(b * _CL, _CL)],
                gs[p],
            )

    def drain_gathers(p):
        pltpu.make_async_copy(
            table_hbm.at[pl.ds(0, _GROUP_ROWS)], rows[p], gs[p]
        ).wait()

    def fire_write(g, p):
        pltpu.async_copy(
            rows[p], out_hbm.at[pl.ds(base + g * _GROUP_ROWS, _GROUP_ROWS)],
            ws[p],
        )

    def drain_write(p):
        pltpu.make_async_copy(
            rows[p], out_hbm.at[pl.ds(base, _GROUP_ROWS)], ws[p]
        ).wait()

    fire_group(0, 0)

    @pl.loop(0, _G, step=2)
    def _outer(g0):
        @pl.when(g0 > 0)
        def _():
            drain_write(1)
        fire_group(g0 + 1, 1)
        drain_gathers(0)
        fire_write(g0, 0)
        @pl.when(g0 + 2 < _G)
        def _():
            drain_write(0)
            fire_group(g0 + 2, 0)
        drain_gathers(1)
        fire_write(g0 + 1, 1)

    drain_write(0)
    drain_write(1)


@jax.jit
def _embed(idx, weight):
    grid_kernel = functools.partial(
        pl.kernel,
        out_type=jax.ShapeDtypeStruct((_TOTAL, EMBED_DIM), jnp.float32),
        mesh=plsc.VectorSubcoreMesh(core_axis_name="c", subcore_axis_name="s"),
        scratch_types=[
            pltpu.VMEM((_CHUNKS, _CL), jnp.int32),
            pltpu.VMEM((_GROUP_ROWS, EMBED_DIM), jnp.float32),
            pltpu.VMEM((_GROUP_ROWS, EMBED_DIM), jnp.float32),
            pltpu.SemaphoreType.DMA,
            pltpu.SemaphoreType.DMA,
            pltpu.SemaphoreType.DMA,
            pltpu.SemaphoreType.DMA,
        ],
        compiler_params=pltpu.CompilerParams(use_tc_tiling_on_sc=False),
    )
    out = grid_kernel(_emb_body)(idx, weight)
    return out


def kernel(X_index, weight):
    idx = jnp.transpose(X_index, (1, 0, 2)).reshape(_NW, _CHUNKS, _CL)
    out = _embed(idx, weight)
    out = out.reshape(HIST, BATCH, EMBED_DIM)
    return jnp.transpose(out, (1, 0, 2))

# --- scband reference (transcript-rebuilt; emitter-appended) ---
"""Pipeline reference for scband-word-embedding-55954833932982 (READ-ONLY COPY).

The authoritative reference and input builder live on the scoring server;
editing this copy changes nothing except your own understanding.
"""

import jax, jax.numpy as jnp
import numpy as np

VOCAB = 1000000
EMBED_DIM = 64
BATCH = 16384
HIST = 50


def setup_inputs(seed: int = 0) -> dict:
    key = jax.random.key(seed)
    k1, k2 = jax.random.split(key)
    X_index = jax.random.randint(k1, (BATCH, HIST, 1), 0, VOCAB, dtype=jnp.int32)
    weight = jax.random.normal(k2, (VOCAB, EMBED_DIM), dtype=jnp.float32) * 0.02
    return {"X_index": X_index, "weight": weight}


def reference(X_index, weight):
    # nn.Embedding lookup: table gather by index
    emb = jnp.take(weight, X_index, axis=0)  # [B, L, 1, D]
    # .squeeze(-2) in the torch module
    return jnp.squeeze(emb, axis=-2)  # [B, L, D]

if __name__ == "__main__":
    import jax
    _d = setup_inputs()
    print(jax.jit(kernel)(*tuple(_d.values())))

</pallas_src>

<mosaic_0001>
#map = affine_map<(d0, d1) -> (0, 0, 0)>
#map1 = affine_map<(d0, d1) -> (0, 0)>
module attributes {stable_mosaic.version = 14 : i64} {
  func.func @_emb_body(%arg0: i32, %arg1: i32, %arg2: memref<32x200x128xi32, #tpu.memory_space<hbm>>, %arg3: memref<1000000x64xf32, #tpu.memory_space<hbm>>, %arg4: memref<819200x64xf32, #tpu.memory_space<hbm>>, %arg5: memref<200x128xi32, #tpu.memory_space<vmem>>, %arg6: memref<512x64xf32, #tpu.memory_space<vmem>>, %arg7: memref<512x64xf32, #tpu.memory_space<vmem>>, %arg8: memref<!tpu.dma_semaphore, #tpu.memory_space<semaphore_mem>>, %arg9: memref<!tpu.dma_semaphore, #tpu.memory_space<semaphore_mem>>, %arg10: memref<!tpu.dma_semaphore, #tpu.memory_space<semaphore_mem>>, %arg11: memref<!tpu.dma_semaphore, #tpu.memory_space<semaphore_mem>>) attributes {dimension_semantics = [#tpu.dimension_semantics<core_parallel>, #tpu.dimension_semantics<subcore_parallel>], iteration_bounds = array<i64: 2, 16>, scalar_prefetch = 0 : i64, scratch_operands = 7 : i64, tpu.core_type = #tpu.core_type<sc_vector_subcore>, window_params = [{transform_indices = #map}, {transform_indices = #map1}, {transform_indices = #map1}]} {
    %mul3A = arith.constant 2 : i32
    %mul3A_0 = arith.muli %arg1, %mul3A : i32
    %add3A = arith.addi %mul3A_0, %arg0 : i32
    "tpu.region"() ({
      %run_scoped3A = tpu.sem_alloc : memref<!tpu.dma_semaphore, #tpu.memory_space<semaphore_mem>>
      %dma_start3A_55 = arith.constant 0 : i32
      %dma_start3A_56 = arith.constant 0 : i32
      %dma_start3A_57 = tpu.memref_slice %arg2[%add3A, %dma_start3A_55, %dma_start3A_56] : memref<32x200x128xi32, #tpu.memory_space<hbm>> -> memref<1x200x128xi32, #tpu.memory_space<hbm>>
      %dma_start3A_58 = tpu.memref_squeeze %dma_start3A_57 : memref<1x200x128xi32, #tpu.memory_space<hbm>> -> memref<200x128xi32, #tpu.memory_space<hbm>>
      %dma_start3A_59 = arith.constant 0 : i32
      %dma_start3A_60 = arith.constant 0 : i32
      %dma_start3A_61 = tpu.memref_slice %arg2[%add3A, %dma_start3A_59, %dma_start3A_60] : memref<32x200x128xi32, #tpu.memory_space<hbm>> -> memref<1x200x128xi32, #tpu.memory_space<hbm>>
      %dma_start3A_62 = tpu.memref_squeeze %dma_start3A_61 : memref<1x200x128xi32, #tpu.memory_space<hbm>> -> memref<200x128xi32, #tpu.memory_space<hbm>>
      tpu.enqueue_dma source(%dma_start3A_62 : memref<200x128xi32, #tpu.memory_space<hbm>>) target(%arg5 : memref<200x128xi32, #tpu.memory_space<vmem>>) target_semaphore(%run_scoped3A : memref<!tpu.dma_semaphore, #tpu.memory_space<semaphore_mem>>)
      %dma_wait3A_63 = arith.constant 0 : i32
      %dma_wait3A_64 = arith.constant 0 : i32
      %dma_wait3A_65 = tpu.memref_slice %arg2[%add3A, %dma_wait3A_63, %dma_wait3A_64] : memref<32x200x128xi32, #tpu.memory_space<hbm>> -> memref<1x200x128xi32, #tpu.memory_space<hbm>>
      %dma_wait3A_66 = tpu.memref_squeeze %dma_wait3A_65 : memref<1x200x128xi32, #tpu.memory_space<hbm>> -> memref<200x128xi32, #tpu.memory_space<hbm>>
      %dma_wait3A_67 = arith.constant 0 : i32
      %dma_wait3A_68 = arith.constant 0 : i32
      %dma_wait3A_69 = tpu.memref_slice %arg2[%add3A, %dma_wait3A_67, %dma_wait3A_68] : memref<32x200x128xi32, #tpu.memory_space<hbm>> -> memref<1x200x128xi32, #tpu.memory_space<hbm>>
      %dma_wait3A_70 = tpu.memref_squeeze %dma_wait3A_69 : memref<1x200x128xi32, #tpu.memory_space<hbm>> -> memref<200x128xi32, #tpu.memory_space<hbm>>
      tpu.wait_dma2 semaphore(%run_scoped3A : memref<!tpu.dma_semaphore, #tpu.memory_space<semaphore_mem>>) src(%dma_wait3A_70 : memref<200x128xi32, #tpu.memory_space<hbm>>) dst(%arg5 : memref<200x128xi32, #tpu.memory_space<vmem>>)
      tpu.yield
    }) : () -> ()
    %mul3A_1 = arith.constant 200 : i32
    %mul3A_2 = arith.muli %add3A, %mul3A_1 : i32
    %mul3A_3 = arith.constant 128 : i32
    %mul3A_4 = arith.muli %mul3A_2, %mul3A_3 : i32
    %dma_start3A = arith.constant 0 : i32
    %dma_start3A_5 = arith.constant 0 : i32
    %dma_start3A_6 = arith.constant 0 : i32
    %dma_start3A_7 = tpu.memref_slice %arg6[%dma_start3A_5, %dma_start3A_6] : memref<512x64xf32, #tpu.memory_space<vmem>> -> memref<128x64xf32, #tpu.memory_space<vmem>>
    %dma_start3A_8 = arith.constant 0 : i32
    %dma_start3A_9 = tpu.memref_slice %arg5[%dma_start3A, %dma_start3A_8] : memref<200x128xi32, #tpu.memory_space<vmem>> -> memref<1x128xi32, #tpu.memory_space<vmem>>
    %dma_start3A_10 = tpu.memref_squeeze %dma_start3A_9 : memref<1x128xi32, #tpu.memory_space<vmem>> -> memref<128xi32, #tpu.memory_space<vmem>>
    %dma_start3A_11 = arith.constant 0 : i32
    %dma_start3A_12 = arith.constant 0 : i32
    %dma_start3A_13 = tpu.memref_slice %arg3[%dma_start3A_11, %dma_start3A_12] : memref<1000000x64xf32, #tpu.memory_space<hbm>> -> memref<1000000x64xf32, #tpu.memory_space<hbm>>
    tpu.enqueue_indirect_dma source(%dma_start3A_13 : memref<1000000x64xf32, #tpu.memory_space<hbm>>) target(%dma_start3A_7 : memref<128x64xf32, #tpu.memory_space<vmem>>) offsets(%dma_start3A_10 : memref<128xi32, #tpu.memory_space<vmem>>) semaphore(%arg8 : memref<!tpu.dma_semaphore, #tpu.memory_space<semaphore_mem>>)
    %dma_start3A_14 = arith.constant 1 : i32
    %dma_start3A_15 = arith.constant 128 : i32
    %dma_start3A_16 = arith.constant 0 : i32
    %dma_start3A_17 = tpu.memref_slice %arg6[%dma_start3A_15, %dma_start3A_16] : memref<512x64xf32, #tpu.memory_space<vmem>> -> memref<128x64xf32, #tpu.memory_space<vmem>>
    %dma_start3A_18 = arith.constant 0 : i32
    %dma_start3A_19 = tpu.memref_slice %arg5[%dma_start3A_14, %dma_start3A_18] : memref<200x128xi32, #tpu.memory_space<vmem>> -> memref<1x128xi32, #tpu.memory_space<vmem>>
    %dma_start3A_20 = tpu.memref_squeeze %dma_start3A_19 : memref<1x128xi32, #tpu.memory_space<vmem>> -> memref<128xi32, #tpu.memory_space<vmem>>
    %dma_start3A_21 = arith.constant 0 : i32
    %dma_start3A_22 = arith.constant 0 : i32
    %dma_start3A_23 = tpu.memref_slice %arg3[%dma_start3A_21, %dma_start3A_22] : memref<1000000x64xf32, #tpu.memory_space<hbm>> -> memref<1000000x64xf32, #tpu.memory_space<hbm>>
    tpu.enqueue_indirect_dma source(%dma_start3A_23 : memref<1000000x64xf32, #tpu.memory_space<hbm>>) target(%dma_start3A_17 : memref<128x64xf32, #tpu.memory_space<vmem>>) offsets(%dma_start3A_20 : memref<128xi32, #tpu.memory_space<vmem>>) semaphore(%arg8 : memref<!tpu.dma_semaphore, #tpu.memory_space<semaphore_mem>>)
    %dma_start3A_24 = arith.constant 2 : i32
    %dma_start3A_25 = arith.constant 256 : i32
    %dma_start3A_26 = arith.constant 0 : i32
    %dma_start3A_27 = tpu.memref_slice %arg6[%dma_start3A_25, %dma_start3A_26] : memref<512x64xf32, #tpu.memory_space<vmem>> -> memref<128x64xf32, #tpu.memory_space<vmem>>
    %dma_start3A_28 = arith.constant 0 : i32
    %dma_start3A_29 = tpu.memref_slice %arg5[%dma_start3A_24, %dma_start3A_28] : memref<200x128xi32, #tpu.memory_space<vmem>> -> memref<1x128xi32, #tpu.memory_space<vmem>>
    %dma_start3A_30 = tpu.memref_squeeze %dma_start3A_29 : memref<1x128xi32, #tpu.memory_space<vmem>> -> memref<128xi32, #tpu.memory_space<vmem>>
    %dma_start3A_31 = arith.constant 0 : i32
    %dma_start3A_32 = arith.constant 0 : i32
    %dma_start3A_33 = tpu.memref_slice %arg3[%dma_start3A_31, %dma_start3A_32] : memref<1000000x64xf32, #tpu.memory_space<hbm>> -> memref<1000000x64xf32, #tpu.memory_space<hbm>>
    tpu.enqueue_indirect_dma source(%dma_start3A_33 : memref<1000000x64xf32, #tpu.memory_space<hbm>>) target(%dma_start3A_27 : memref<128x64xf32, #tpu.memory_space<vmem>>) offsets(%dma_start3A_30 : memref<128xi32, #tpu.memory_space<vmem>>) semaphore(%arg8 : memref<!tpu.dma_semaphore, #tpu.memory_space<semaphore_mem>>)
    %dma_start3A_34 = arith.constant 3 : i32
    %dma_start3A_35 = arith.constant 384 : i32
    %dma_start3A_36 = arith.constant 0 : i32
    %dma_start3A_37 = tpu.memref_slice %arg6[%dma_start3A_35, %dma_start3A_36] : memref<512x64xf32, #tpu.memory_space<vmem>> -> memref<128x64xf32, #tpu.memory_space<vmem>>
    %dma_start3A_38 = arith.constant 0 : i32
    %dma_start3A_39 = tpu.memref_slice %arg5[%dma_start3A_34, %dma_start3A_38] : memref<200x128xi32, #tpu.memory_space<vmem>> -> memref<1x128xi32, #tpu.memory_space<vmem>>
    %dma_start3A_40 = tpu.memref_squeeze %dma_start3A_39 : memref<1x128xi32, #tpu.memory_space<vmem>> -> memref<128xi32, #tpu.memory_space<vmem>>
    %dma_start3A_41 = arith.constant 0 : i32
    %dma_start3A_42 = arith.constant 0 : i32
    %dma_start3A_43 = tpu.memref_slice %arg3[%dma_start3A_41, %dma_start3A_42] : memref<1000000x64xf32, #tpu.memory_space<hbm>> -> memref<1000000x64xf32, #tpu.memory_space<hbm>>
    tpu.enqueue_indirect_dma source(%dma_start3A_43 : memref<1000000x64xf32, #tpu.memory_space<hbm>>) target(%dma_start3A_37 : memref<128x64xf32, #tpu.memory_space<vmem>>) offsets(%dma_start3A_40 : memref<128xi32, #tpu.memory_space<vmem>>) semaphore(%arg8 : memref<!tpu.dma_semaphore, #tpu.memory_space<semaphore_mem>>)
    %scan3A = arith.constant 0 : i32
    %scan3A_44 = arith.constant 25 : i32
    %scan3A_45 = arith.addi %scan3A, %scan3A_44 : i32
    %scan3A_46 = arith.constant 1 : i32
    scf.for %scan3A_55 = %scan3A to %scan3A_45 step %scan3A_46  : i32 {
      %mul3A_56 = arith.constant 2 : i32
      %mul3A_57 = arith.muli %scan3A_55, %mul3A_56 : i32
      %add3A_58 = arith.constant 0 : i32
      %add3A_59 = arith.addi %add3A_58, %mul3A_57 : i32
      %gt3A = arith.constant 0 : i32
      %gt3A_60 = arith.cmpi sgt, %add3A_59, %gt3A : i32
      %convert_element_type3A = arith.extui %gt3A_60 : i1 to i32
      %cond3A = arith.constant 0 : i32
      %cond3A_61 = arith.cmpi ne, %convert_element_type3A, %cond3A : i32
      scf.if %cond3A_61 {
        %dma_wait3A_150 = arith.constant 0 : i32
        %dma_wait3A_151 = tpu.memref_slice %arg4[%mul3A_4, %dma_wait3A_150] : memref<819200x64xf32, #tpu.memory_space<hbm>> -> memref<512x64xf32, #tpu.memory_space<hbm>>
        %dma_wait3A_152 = arith.constant 0 : i32
        %dma_wait3A_153 = tpu.memref_slice %arg4[%mul3A_4, %dma_wait3A_152] : memref<819200x64xf32, #tpu.memory_space<hbm>> -> memref<512x64xf32, #tpu.memory_space<hbm>>
        tpu.wait_dma2 semaphore(%arg11 : memref<!tpu.dma_semaphore, #tpu.memory_space<semaphore_mem>>) src(%arg7 : memref<512x64xf32, #tpu.memory_space<vmem>>) dst(%dma_wait3A_153 : memref<512x64xf32, #tpu.memory_space<hbm>>)
      } else {
      }
      %add3A_62 = arith.constant 1 : i32
      %add3A_63 = arith.addi %add3A_59, %add3A_62 : i32
      %mul3A_64 = arith.constant 4 : i32
      %mul3A_65 = arith.muli %add3A_63, %mul3A_64 : i32
      %add3A_66 = arith.constant 0 : i32
      %add3A_67 = arith.addi %mul3A_65, %add3A_66 : i32
      %dma_start3A_68 = arith.constant 0 : i32
      %dma_start3A_69 = arith.constant 0 : i32
      %dma_start3A_70 = tpu.memref_slice %arg7[%dma_start3A_68, %dma_start3A_69] : memref<512x64xf32, #tpu.memory_space<vmem>> -> memref<128x64xf32, #tpu.memory_space<vmem>>
      %dma_start3A_71 = arith.constant 0 : i32
      %dma_start3A_72 = tpu.memref_slice %arg5[%add3A_67, %dma_start3A_71] : memref<200x128xi32, #tpu.memory_space<vmem>> -> memref<1x128xi32, #tpu.memory_space<vmem>>
      %dma_start3A_73 = tpu.memref_squeeze %dma_start3A_72 : memref<1x128xi32, #tpu.memory_space<vmem>> -> memref<128xi32, #tpu.memory_space<vmem>>
      %dma_start3A_74 = arith.constant 0 : i32
      %dma_start3A_75 = arith.constant 0 : i32
      %dma_start3A_76 = tpu.memref_slice %arg3[%dma_start3A_74, %dma_start3A_75] : memref<1000000x64xf32, #tpu.memory_space<hbm>> -> memref<1000000x64xf32, #tpu.memory_space<hbm>>
      tpu.enqueue_indirect_dma source(%dma_start3A_76 : memref<1000000x64xf32, #tpu.memory_space<hbm>>) target(%dma_start3A_70 : memref<128x64xf32, #tpu.memory_space<vmem>>) offsets(%dma_start3A_73 : memref<128xi32, #tpu.memory_space<vmem>>) semaphore(%arg9 : memref<!tpu.dma_semaphore, #tpu.memory_space<semaphore_mem>>)
      %mul3A_77 = arith.constant 4 : i32
      %mul3A_78 = arith.muli %add3A_63, %mul3A_77 : i32
      %add3A_79 = arith.constant 1 : i32
      %add3A_80 = arith.addi %mul3A_78, %add3A_79 : i32
      %dma_start3A_81 = arith.constant 128 : i32
      %dma_start3A_82 = arith.constant 0 : i32
      %dma_start3A_83 = tpu.memref_slice %arg7[%dma_start3A_81, %dma_start3A_82] : memref<512x64xf32, #tpu.memory_space<vmem>> -> memref<128x64xf32, #tpu.memory_space<vmem>>
      %dma_start3A_84 = arith.constant 0 : i32
      %dma_start3A_85 = tpu.memref_slice %arg5[%add3A_80, %dma_start3A_84] : memref<200x128xi32, #tpu.memory_space<vmem>> -> memref<1x128xi32, #tpu.memory_space<vmem>>
      %dma_start3A_86 = tpu.memref_squeeze %dma_start3A_85 : memref<1x128xi32, #tpu.memory_space<vmem>> -> memref<128xi32, #tpu.memory_space<vmem>>
      %dma_start3A_87 = arith.constant 0 : i32
      %dma_start3A_88 = arith.constant 0 : i32
      %dma_start3A_89 = tpu.memref_slice %arg3[%dma_start3A_87, %dma_start3A_88] : memref<1000000x64xf32, #tpu.memory_space<hbm>> -> memref<1000000x64xf32, #tpu.memory_space<hbm>>
      tpu.enqueue_indirect_dma source(%dma_start3A_89 : memref<1000000x64xf32, #tpu.memory_space<hbm>>) target(%dma_start3A_83 : memref<128x64xf32, #tpu.memory_space<vmem>>) offsets(%dma_start3A_86 : memref<128xi32, #tpu.memory_space<vmem>>) semaphore(%arg9 : memref<!tpu.dma_semaphore, #tpu.memory_space<semaphore_mem>>)
      %mul3A_90 = arith.constant 4 : i32
      %mul3A_91 = arith.muli %add3A_63, %mul3A_90 : i32
      %add3A_92 = arith.constant 2 : i32
      %add3A_93 = arith.addi %mul3A_91, %add3A_92 : i32
      %dma_start3A_94 = arith.constant 256 : i32
      %dma_start3A_95 = arith.constant 0 : i32
      %dma_start3A_96 = tpu.memref_slice %arg7[%dma_start3A_94, %dma_start3A_95] : memref<512x64xf32, #tpu.memory_space<vmem>> -> memref<128x64xf32, #tpu.memory_space<vmem>>
      %dma_start3A_97 = arith.constant 0 : i32
      %dma_start3A_98 = tpu.memref_slice %arg5[%add3A_93, %dma_start3A_97] : memref<200x128xi32, #tpu.memory_space<vmem>> -> memref<1x128xi32, #tpu.memory_space<vmem>>
      %dma_start3A_99 = tpu.memref_squeeze %dma_start3A_98 : memref<1x128xi32, #tpu.memory_space<vmem>> -> memref<128xi32, #tpu.memory_space<vmem>>
      %dma_start3A_100 = arith.constant 0 : i32
      %dma_start3A_101 = arith.constant 0 : i32
      %dma_start3A_102 = tpu.memref_slice %arg3[%dma_start3A_100, %dma_start3A_101] : memref<1000000x64xf32, #tpu.memory_space<hbm>> -> memref<1000000x64xf32, #tpu.memory_space<hbm>>
      tpu.enqueue_indirect_dma source(%dma_start3A_102 : memref<1000000x64xf32, #tpu.memory_space<hbm>>) target(%dma_start3A_96 : memref<128x64xf32, #tpu.memory_space<vmem>>) offsets(%dma_start3A_99 : memref<128xi32, #tpu.memory_space<vmem>>) semaphore(%arg9 : memref<!tpu.dma_semaphore, #tpu.memory_space<semaphore_mem>>)
      %mul3A_103 = arith.constant 4 : i32
      %mul3A_104 = arith.muli %add3A_63, %mul3A_103 : i32
      %add3A_105 = arith.constant 3 : i32
      %add3A_106 = arith.addi %mul3A_104, %add3A_105 : i32
      %dma_start3A_107 = arith.constant 384 : i32
      %dma_start3A_108 = arith.constant 0 : i32
      %dma_start3A_109 = tpu.memref_slice %arg7[%dma_start3A_107, %dma_start3A_108] : memref<512x64xf32, #tpu.memory_space<vmem>> -> memref<128x64xf32, #tpu.memory_space<vmem>>
      %dma_start3A_110 = arith.constant 0 : i32
      %dma_start3A_111 = tpu.memref_slice %arg5[%add3A_106, %dma_start3A_110] : memref<200x128xi32, #tpu.memory_space<vmem>> -> memref<1x128xi32, #tpu.memory_space<vmem>>
      %dma_start3A_112 = tpu.memref_squeeze %dma_start3A_111 : memref<1x128xi32, #tpu.memory_space<vmem>> -> memref<128xi32, #tpu.memory_space<vmem>>
      %dma_start3A_113 = arith.constant 0 : i32
      %dma_start3A_114 = arith.constant 0 : i32
      %dma_start3A_115 = tpu.memref_slice %arg3[%dma_start3A_113, %dma_start3A_114] : memref<1000000x64xf32, #tpu.memory_space<hbm>> -> memref<1000000x64xf32, #tpu.memory_space<hbm>>
      tpu.enqueue_indirect_dma source(%dma_start3A_115 : memref<1000000x64xf32, #tpu.memory_space<hbm>>) target(%dma_start3A_109 : memref<128x64xf32, #tpu.memory_space<vmem>>) offsets(%dma_start3A_112 : memref<128xi32, #tpu.memory_space<vmem>>) semaphore(%arg9 : memref<!tpu.dma_semaphore, #tpu.memory_space<semaphore_mem>>)
      %dma_wait3A_116 = arith.constant 0 : i32
      %dma_wait3A_117 = arith.constant 0 : i32
      %dma_wait3A_118 = tpu.memref_slice %arg3[%dma_wait3A_116, %dma_wait3A_117] : memref<1000000x64xf32, #tpu.memory_space<hbm>> -> memref<512x64xf32, #tpu.memory_space<hbm>>
      %dma_wait3A_119 = arith.constant 0 : i32
      %dma_wait3A_120 = arith.constant 0 : i32
      %dma_wait3A_121 = tpu.memref_slice %arg3[%dma_wait3A_119, %dma_wait3A_120] : memref<1000000x64xf32, #tpu.memory_space<hbm>> -> memref<512x64xf32, #tpu.memory_space<hbm>>
      tpu.wait_dma2 semaphore(%arg8 : memref<!tpu.dma_semaphore, #tpu.memory_space<semaphore_mem>>) src(%dma_wait3A_121 : memref<512x64xf32, #tpu.memory_space<hbm>>) dst(%arg6 : memref<512x64xf32, #tpu.memory_space<vmem>>)
      %mul3A_122 = arith.constant 512 : i32
      %mul3A_123 = arith.muli %add3A_59, %mul3A_122 : i32
      %add3A_124 = arith.addi %mul3A_4, %mul3A_123 : i32
      %dma_start3A_125 = arith.constant 0 : i32
      %dma_start3A_126 = tpu.memref_slice %arg4[%add3A_124, %dma_start3A_125] : memref<819200x64xf32, #tpu.memory_space<hbm>> -> memref<512x64xf32, #tpu.memory_space<hbm>>
      %dma_start3A_127 = arith.constant 0 : i32
      %dma_start3A_128 = tpu.memref_slice %arg4[%add3A_124, %dma_start3A_127] : memref<819200x64xf32, #tpu.memory_space<hbm>> -> memref<512x64xf32, #tpu.memory_space<hbm>>
      tpu.enqueue_dma source(%arg6 : memref<512x64xf32, #tpu.memory_space<vmem>>) target(%dma_start3A_128 : memref<512x64xf32, #tpu.memory_space<hbm>>) target_semaphore(%arg10 : memref<!tpu.dma_semaphore, #tpu.memory_space<semaphore_mem>>)
      %add3A_129 = arith.constant 2 : i32
      %add3A_130 = arith.addi %add3A_59, %add3A_129 : i32
      %lt3A = arith.constant 50 : i32
      %lt3A_131 = arith.cmpi slt, %add3A_130, %lt3A : i32
      %convert_element_type3A_132 = arith.extui %lt3A_131 : i1 to i32
      %cond3A_133 = arith.constant 0 : i32
      %cond3A_134 = arith.cmpi ne, %convert_element_type3A_132, %cond3A_133 : i32
      scf.if %cond3A_134 {
        %dma_wait3A_150 = arith.constant 0 : i32
        %dma_wait3A_151 = tpu.memref_slice %arg4[%mul3A_4, %dma_wait3A_150] : memref<819200x64xf32, #tpu.memory_space<hbm>> -> memref<512x64xf32, #tpu.memory_space<hbm>>
        %dma_wait3A_152 = arith.constant 0 : i32
        %dma_wait3A_153 = tpu.memref_slice %arg4[%mul3A_4, %dma_wait3A_152] : memref<819200x64xf32, #tpu.memory_space<hbm>> -> memref<512x64xf32, #tpu.memory_space<hbm>>
        tpu.wait_dma2 semaphore(%arg10 : memref<!tpu.dma_semaphore, #tpu.memory_space<semaphore_mem>>) src(%arg6 : memref<512x64xf32, #tpu.memory_space<vmem>>) dst(%dma_wait3A_153 : memref<512x64xf32, #tpu.memory_space<hbm>>)
        %add3A_154 = arith.constant 2 : i32
        %add3A_155 = arith.addi %add3A_59, %add3A_154 : i32
        %mul3A_156 = arith.constant 4 : i32
        %mul3A_157 = arith.muli %add3A_155, %mul3A_156 : i32
        %add3A_158 = arith.constant 0 : i32
        %add3A_159 = arith.addi %mul3A_157, %add3A_158 : i32
        %dma_start3A_160 = arith.constant 0 : i32
        %dma_start3A_161 = arith.constant 0 : i32
        %dma_start3A_162 = tpu.memref_slice %arg6[%dma_start3A_160, %dma_start3A_161] : memref<512x64xf32, #tpu.memory_space<vmem>> -> memref<128x64xf32, #tpu.memory_space<vmem>>
        %dma_start3A_163 = arith.constant 0 : i32
        %dma_start3A_164 = tpu.memref_slice %arg5[%add3A_159, %dma_start3A_163] : memref<200x128xi32, #tpu.memory_space<vmem>> -> memref<1x128xi32, #tpu.memory_space<vmem>>
        %dma_start3A_165 = tpu.memref_squeeze %dma_start3A_164 : memref<1x128xi32, #tpu.memory_space<vmem>> -> memref<128xi32, #tpu.memory_space<vmem>>
        %dma_start3A_166 = arith.constant 0 : i32
        %dma_start3A_167 = arith.constant 0 : i32
        %dma_start3A_168 = tpu.memref_slice %arg3[%dma_start3A_166, %dma_start3A_167] : memref<1000000x64xf32, #tpu.memory_space<hbm>> -> memref<1000000x64xf32, #tpu.memory_space<hbm>>
        tpu.enqueue_indirect_dma source(%dma_start3A_168 : memref<1000000x64xf32, #tpu.memory_space<hbm>>) target(%dma_start3A_162 : memref<128x64xf32, #tpu.memory_space<vmem>>) offsets(%dma_start3A_165 : memref<128xi32, #tpu.memory_space<vmem>>) semaphore(%arg8 : memref<!tpu.dma_semaphore, #tpu.memory_space<semaphore_mem>>)
        %mul3A_169 = arith.constant 4 : i32
        %mul3A_170 = arith.muli %add3A_155, %mul3A_169 : i32
        %add3A_171 = arith.constant 1 : i32
        %add3A_172 = arith.addi %mul3A_170, %add3A_171 : i32
        %dma_start3A_173 = arith.constant 128 : i32
        %dma_start3A_174 = arith.constant 0 : i32
        %dma_start3A_175 = tpu.memref_slice %arg6[%dma_start3A_173, %dma_start3A_174] : memref<512x64xf32, #tpu.memory_space<vmem>> -> memref<128x64xf32, #tpu.memory_space<vmem>>
        %dma_start3A_176 = arith.constant 0 : i32
        %dma_start3A_177 = tpu.memref_slice %arg5[%add3A_172, %dma_start3A_176] : memref<200x128xi32, #tpu.memory_space<vmem>> -> memref<1x128xi32, #tpu.memory_space<vmem>>
        %dma_start3A_178 = tpu.memref_squeeze %dma_start3A_177 : memref<1x128xi32, #tpu.memory_space<vmem>> -> memref<128xi32, #tpu.memory_space<vmem>>
        %dma_start3A_179 = arith.constant 0 : i32
        %dma_start3A_180 = arith.constant 0 : i32
        %dma_start3A_181 = tpu.memref_slice %arg3[%dma_start3A_179, %dma_start3A_180] : memref<1000000x64xf32, #tpu.memory_space<hbm>> -> memref<1000000x64xf32, #tpu.memory_space<hbm>>
        tpu.enqueue_indirect_dma source(%dma_start3A_181 : memref<1000000x64xf32, #tpu.memory_space<hbm>>) target(%dma_start3A_175 : memref<128x64xf32, #tpu.memory_space<vmem>>) offsets(%dma_start3A_178 : memref<128xi32, #tpu.memory_space<vmem>>) semaphore(%arg8 : memref<!tpu.dma_semaphore, #tpu.memory_space<semaphore_mem>>)
        %mul3A_182 = arith.constant 4 : i32
        %mul3A_183 = arith.muli %add3A_155, %mul3A_182 : i32
        %add3A_184 = arith.constant 2 : i32
        %add3A_185 = arith.addi %mul3A_183, %add3A_184 : i32
        %dma_start3A_186 = arith.constant 256 : i32
        %dma_start3A_187 = arith.constant 0 : i32
        %dma_start3A_188 = tpu.memref_slice %arg6[%dma_start3A_186, %dma_start3A_187] : memref<512x64xf32, #tpu.memory_space<vmem>> -> memref<128x64xf32, #tpu.memory_space<vmem>>
        %dma_start3A_189 = arith.constant 0 : i32
        %dma_start3A_190 = tpu.memref_slice %arg5[%add3A_185, %dma_start3A_189] : memref<200x128xi32, #tpu.memory_space<vmem>> -> memref<1x128xi32, #tpu.memory_space<vmem>>
        %dma_start3A_191 = tpu.memref_squeeze %dma_start3A_190 : memref<1x128xi32, #tpu.memory_space<vmem>> -> memref<128xi32, #tpu.memory_space<vmem>>
        %dma_start3A_192 = arith.constant 0 : i32
        %dma_start3A_193 = arith.constant 0 : i32
        %dma_start3A_194 = tpu.memref_slice %arg3[%dma_start3A_192, %dma_start3A_193] : memref<1000000x64xf32, #tpu.memory_space<hbm>> -> memref<1000000x64xf32, #tpu.memory_space<hbm>>
        tpu.enqueue_indirect_dma source(%dma_start3A_194 : memref<1000000x64xf32, #tpu.memory_space<hbm>>) target(%dma_start3A_188 : memref<128x64xf32, #tpu.memory_space<vmem>>) offsets(%dma_start3A_191 : memref<128xi32, #tpu.memory_space<vmem>>) semaphore(%arg8 : memref<!tpu.dma_semaphore, #tpu.memory_space<semaphore_mem>>)
        %mul3A_195 = arith.constant 4 : i32
        %mul3A_196 = arith.muli %add3A_155, %mul3A_195 : i32
        %add3A_197 = arith.constant 3 : i32
        %add3A_198 = arith.addi %mul3A_196, %add3A_197 : i32
        %dma_start3A_199 = arith.constant 384 : i32
        %dma_start3A_200 = arith.constant 0 : i32
        %dma_start3A_201 = tpu.memref_slice %arg6[%dma_start3A_199, %dma_start3A_200] : memref<512x64xf32, #tpu.memory_space<vmem>> -> memref<128x64xf32, #tpu.memory_space<vmem>>
        %dma_start3A_202 = arith.constant 0 : i32
        %dma_start3A_203 = tpu.memref_slice %arg5[%add3A_198, %dma_start3A_202] : memref<200x128xi32, #tpu.memory_space<vmem>> -> memref<1x128xi32, #tpu.memory_space<vmem>>
        %dma_start3A_204 = tpu.memref_squeeze %dma_start3A_203 : memref<1x128xi32, #tpu.memory_space<vmem>> -> memref<128xi32, #tpu.memory_space<vmem>>
        %dma_start3A_205 = arith.constant 0 : i32
        %dma_start3A_206 = arith.constant 0 : i32
        %dma_start3A_207 = tpu.memref_slice %arg3[%dma_start3A_205, %dma_start3A_206] : memref<1000000x64xf32, #tpu.memory_space<hbm>> -> memref<1000000x64xf32, #tpu.memory_space<hbm>>
        tpu.enqueue_indirect_dma source(%dma_start3A_207 : memref<1000000x64xf32, #tpu.memory_space<hbm>>) target(%dma_start3A_201 : memref<128x64xf32, #tpu.memory_space<vmem>>) offsets(%dma_start3A_204 : memref<128xi32, #tpu.memory_space<vmem>>) semaphore(%arg8 : memref<!tpu.dma_semaphore, #tpu.memory_space<semaphore_mem>>)
      } else {
      }
      %dma_wait3A_135 = arith.constant 0 : i32
      %dma_wait3A_136 = arith.constant 0 : i32
      %dma_wait3A_137 = tpu.memref_slice %arg3[%dma_wait3A_135, %dma_wait3A_136] : memref<1000000x64xf32, #tpu.memory_space<hbm>> -> memref<512x64xf32, #tpu.memory_space<hbm>>
      %dma_wait3A_138 = arith.constant 0 : i32
      %dma_wait3A_139 = arith.constant 0 : i32
      %dma_wait3A_140 = tpu.memref_slice %arg3[%dma_wait3A_138, %dma_wait3A_139] : memref<1000000x64xf32, #tpu.memory_space<hbm>> -> memref<512x64xf32, #tpu.memory_space<hbm>>
      tpu.wait_dma2 semaphore(%arg9 : memref<!tpu.dma_semaphore, #tpu.memory_space<semaphore_mem>>) src(%dma_wait3A_140 : memref<512x64xf32, #tpu.memory_space<hbm>>) dst(%arg7 : memref<512x64xf32, #tpu.memory_space<vmem>>)
      %add3A_141 = arith.constant 1 : i32
      %add3A_142 = arith.addi %add3A_59, %add3A_141 : i32
      %mul3A_143 = arith.constant 512 : i32
      %mul3A_144 = arith.muli %add3A_142, %mul3A_143 : i32
      %add3A_145 = arith.addi %mul3A_4, %mul3A_144 : i32
      %dma_start3A_146 = arith.constant 0 : i32
      %dma_start3A_147 = tpu.memref_slice %arg4[%add3A_145, %dma_start3A_146] : memref<819200x64xf32, #tpu.memory_space<hbm>> -> memref<512x64xf32, #tpu.memory_space<hbm>>
      %dma_start3A_148 = arith.constant 0 : i32
      %dma_start3A_149 = tpu.memref_slice %arg4[%add3A_145, %dma_start3A_148] : memref<819200x64xf32, #tpu.memory_space<hbm>> -> memref<512x64xf32, #tpu.memory_space<hbm>>
      tpu.enqueue_dma source(%arg7 : memref<512x64xf32, #tpu.memory_space<vmem>>) target(%dma_start3A_149 : memref<512x64xf32, #tpu.memory_space<hbm>>) target_semaphore(%arg11 : memref<!tpu.dma_semaphore, #tpu.memory_space<semaphore_mem>>)
    }
    %scan3A_47 = arith.constant 25 : i32
    %dma_wait3A = arith.constant 0 : i32
    %dma_wait3A_48 = tpu.memref_slice %arg4[%mul3A_4, %dma_wait3A] : memref<819200x64xf32, #tpu.memory_space<hbm>> -> memref<512x64xf32, #tpu.memory_space<hbm>>
    %dma_wait3A_49 = arith.constant 0 : i32
    %dma_wait3A_50 = tpu.memref_slice %arg4[%mul3A_4, %dma_wait3A_49] : memref<819200x64xf32, #tpu.memory_space<hbm>> -> memref<512x64xf32, #tpu.memory_space<hbm>>
    tpu.wait_dma2 semaphore(%arg10 : memref<!tpu.dma_semaphore, #tpu.memory_space<semaphore_mem>>) src(%arg6 : memref<512x64xf32, #tpu.memory_space<vmem>>) dst(%dma_wait3A_50 : memref<512x64xf32, #tpu.memory_space<hbm>>)
    %dma_wait3A_51 = arith.constant 0 : i32
    %dma_wait3A_52 = tpu.memref_slice %arg4[%mul3A_4, %dma_wait3A_51] : memref<819200x64xf32, #tpu.memory_space<hbm>> -> memref<512x64xf32, #tpu.memory_space<hbm>>
    %dma_wait3A_53 = arith.constant 0 : i32
    %dma_wait3A_54 = tpu.memref_slice %arg4[%mul3A_4, %dma_wait3A_53] : memref<819200x64xf32, #tpu.memory_space<hbm>> -> memref<512x64xf32, #tpu.memory_space<hbm>>
    tpu.wait_dma2 semaphore(%arg11 : memref<!tpu.dma_semaphore, #tpu.memory_space<semaphore_mem>>) src(%arg7 : memref<512x64xf32, #tpu.memory_space<vmem>>) dst(%dma_wait3A_54 : memref<512x64xf32, #tpu.memory_space<hbm>>)
    return
  }
}

</mosaic_0001>

<sc_bundles>
// kernel: _embed.3.cloned.1.call-start
scs
__scs_entry_jumppad:
0x0: {  	(pc) =	sbr.rel $0x88, $3  }
0x1: {  	(tag) =	ssettag $0x0;
	lr =	simm.s32 $0x1  }
0x2: {  	[smem:$0x3F9F] =	sst lr;
	_ =	strace $0xD0000000  }
0x3: {  	_ = 	snop  }
0x4: {  	_ = 	snop  }
0x5: {  	_ = 	snop  }
0x6: {  	_ = 	snop  }
0x7: {  	_ = 	snop  }
__scs_overlays_trampoline_lowered:
0x8: {  	[smem:$0x3FAE] =	sst s0  }
0x9: {  	[smem:$0x3FAF] =	sst s1  }
0xa: {  	[smem:$0x3FB0] =	sst s2  }
0xb: {  	[smem:$0x3FB1] =	sst s3  }
0xc: {  	[smem:$0x3FB2] =	sst s4  }
0xd: {  	[smem:$0x3FB3] =	sst s5  }
0xe: {  	[smem:$0x3FB4] =	sst s6  }
0xf: {  	[smem:$0x3FB5] =	sst s7  }
0x10: {  	[smem:$0x3FB6] =	sst s8  }
0x11: {  	[smem:$0x3FB7] =	sst s9;
	s0 =	simm.s32 @!p0 $0x0  }
0x12: {  	s1 =	sld [smem:$0x3F9D];
	s0 =	simm.s32 @p0 $0x1  }
0x13: {  	[smem:$0x3FB8] =	sst s0;
	s0 =	simm.s32 @!p1 $0x0  }
0x14: {  	s2 =	sld [smem:$0x3F9C];
	s0 =	simm.s32 @p1 $0x1  }
0x15: {  	[smem:$0x3FB9] =	sst s0;
	s0 =	simm.s32 @!p2 $0x0  }
0x16: {  	s3 =	sld [smem:$0x3FDB];
	s0 =	simm.s32 @p2 $0x1  }
0x17: {  	s4 =	simm.s32 $0x1BF5;
	[smem:$0x3FBB] =	sst s0  }
0x18: {  	s0 =	sld [smem:$0x3F9E];
	_ =	swait.ge [sflag:s4], $0x0  }
0x19: {  	s7 =	sld [smem:$0x3F9F]  }
0x1a: {  	s8 =	sadd.s32 $0xFFFFE003, lr  }
0x1b: {  	s9 =	sadd.s32 $0xFFFFFEF7, lr;
	s5 =	simm.s32 $0xFFFFFFFF;
	p2 =	slt.u32 s8, $0xFFFFF086  }
0x1c: {  	p1 =	slt.u32 s9, $0xF7A;
	s5 =	simm.s32 @!p2 $0x0  }
0x1d: {  	s5 =	simm.s32 @p1 $0x1;
	p0 =	seq.s32 s7, s2  }
0x1e: {  	s7 =	smul.u32 @!p0 $0xF7A, s2;
	p2 =	seq.s32 @!p0 s5, $0x0  }
0x1f: {  	s9 =	smul.u32 $0xF7A, s1;
	s8 =	simm.s32 @!p0 $0x1BF5;
	p2 =	por !p2, p0  }
0x20: {  	[sflag:s8] =	ssyncset.s32 @!p0 $0xFFFFF086;
	s6 =	sadd.s32 @!p0 s3, s7;
	s7 =	simm.s32 @!p0 $0x108  }
0x21: {  	s3 =	sadd.s32 s3, s9;
	s6 =	sadd.s32 @!p0 $0x88, s6;
	s7 =	simm.s32 @p2 $0x1082  }
0x22: {  	[simem:s7], [sflag:s8] =	dma.local @!p0 [hbm:s6], $0xF7A  }
0x23: {  	s9 =	sor.u32 $0xD0000000, s2;
	s6 =	simm.s32 $0x108;
	_ =	swait.ge @!p0 [sflag:s8], $0x0  }
0x24: {  	s3 =	sadd.s32 $0x88, s3;
	s6 =	simm.s32 @!p1 $0x1082;
	[sflag:s4] =	ssyncset.s32 $0xFFFFF086  }
0x25: {  	[simem:s6], [sflag:s4] =	dma.local [hbm:s3], $0xF7A  }
0x26: {  	[smem:$0x3F9F] =	sst s1;
	(tag) =	ssettag s2;
	_ =	strace s9  }
0x27: {  	s1 =	sld [smem:$0x3FAF]  }
0x28: {  	s2 =	sld [smem:$0x3FB0]  }
0x29: {  	s4 =	sld [smem:$0x3FB2]  }
0x2a: {  	p0 =	seq.s32 s5, $0x0;
	s5 =	sld [smem:$0x3FB3]  }
0x2b: {  	s6 =	sld [smem:$0x3FB4]  }
0x2c: {  	s7 =	sld [smem:$0x3FB5]  }
0x2d: {  	s3 =	simm.s32 $0x108;
	s8 =	sld [smem:$0x3FB6]  }
0x2e: {  	s3 =	simm.s32 @!p0 $0x1082;
	s9 =	sld [smem:$0x3FB7]  }
0x2f: {  	lr =	sadd.s32 s0, s3;
	s0 =	sld [smem:$0x3FAE]  }
0x30: {  	s3 =	sld [smem:$0x3FB1]  }
0x31: {  	[smem:$0x3FBA] =	sst s10  }
0x32: {  	s10 =	sld [smem:$0x3FB8];
	_ =	sdelay $0x3  }
0x33: {  	p0 =	seq.s32 s10, $0x1;
	s10 =	sld [smem:$0x3FBA];
	_ =	sdelay $0x3  }
0x34: {  	[smem:$0x3FBA] =	sst s10  }
0x35: {  	s10 =	sld [smem:$0x3FB9];
	_ =	sdelay $0x3  }
0x36: {  	p1 =	seq.s32 s10, $0x1;
	s10 =	sld [smem:$0x3FBA];
	_ =	sdelay $0x3  }
0x37: {  	[smem:$0x3FBA] =	sst s10  }
0x38: {  	s10 =	sld [smem:$0x3FBB]  }
0x39: {  	_ = 	snop;
	(pc) =	sbr.ind lr, $3  }
0x3a: {  	_ = 	snop  }
0x3b: {  	_ = 	snop  }
0x3c: {  	p2 =	seq.s32 s10, $0x1;
	s10 =	sld [smem:$0x3FBA]  }
0x3d: {  	_ =	shalt  }
0x3e: {  	_ =	shalt  }
0x3f: {  	_ =	shalt  }
0x40: {  	_ =	shalt  }
0x41: {  	_ =	shalt  }
0x42: {  	_ =	shalt  }
0x43: {  	_ =	shalt  }
0x44: {  	_ =	shalt  }
0x45: {  	_ =	shalt  }
0x46: {  	_ =	shalt  }
0x47: {  	_ =	shalt  }
0x48: {  	_ =	shalt  }
0x49: {  	_ =	shalt  }
0x4a: {  	_ =	shalt  }
0x4b: {  	_ =	shalt  }
0x4c: {  	_ =	shalt  }
0x4d: {  	_ =	shalt  }
0x4e: {  	_ =	shalt  }
0x4f: {  	_ =	shalt  }
0x50: {  	_ =	shalt  }
0x51: {  	_ =	shalt  }
0x52: {  	_ =	shalt  }
0x53: {  	_ =	shalt  }
0x54: {  	_ =	shalt  }
0x55: {  	_ =	shalt  }
0x56: {  	_ =	shalt  }
0x57: {  	_ =	shalt  }
0x58: {  	_ =	shalt  }
0x59: {  	_ =	shalt  }
0x5a: {  	_ =	shalt  }
0x5b: {  	_ =	shalt  }
0x5c: {  	_ =	shalt  }
0x5d: {  	_ =	shalt  }
0x5e: {  	_ =	shalt  }
0x5f: {  	_ =	shalt  }
0x60: {  	_ =	shalt  }
0x61: {  	_ =	shalt  }
0x62: {  	_ =	shalt  }
0x63: {  	_ =	shalt  }
0x64: {  	_ =	shalt  }
0x65: {  	_ =	shalt  }
0x66: {  	_ =	shalt  }
0x67: {  	_ =	shalt  }
0x68: {  	_ =	shalt  }
0x69: {  	_ =	shalt  }
0x6a: {  	_ =	shalt  }
0x6b: {  	_ =	shalt  }
0x6c: {  	_ =	shalt  }
0x6d: {  	_ =	shalt  }
0x6e: {  	_ =	shalt  }
0x6f: {  	_ =	shalt  }
0x70: {  	_ =	shalt  }
0x71: {  	_ =	shalt  }
0x72: {  	_ =	shalt  }
0x73: {  	_ =	shalt  }
0x74: {  	_ =	shalt  }
0x75: {  	_ =	shalt  }
0x76: {  	_ =	shalt  }
0x77: {  	_ =	shalt  }
0x78: {  	_ =	shalt  }
0x79: {  	_ =	shalt  }
0x7a: {  	_ =	shalt  }
0x7b: {  	_ =	shalt  }
0x7c: {  	_ =	shalt  }
0x7d: {  	_ =	shalt  }
0x7e: {  	_ =	shalt  }
0x7f: {  	_ =	shalt  }
0x80: {  	_ =	shalt  }
0x81: {  	_ =	shalt  }
0x82: {  	_ =	shalt  }
0x83: {  	_ =	shalt  }
0x84: {  	_ =	shalt  }
0x85: {  	_ =	shalt  }
0x86: {  	_ =	shalt  }
0x87: {  	_ =	shalt  }
.Lfunc_end0:
.L_simem_size_0:
called_computation.1_lowered:
.L_overlay_start_0:
0x88: {  	s2 =	sld [smem:$0x3FD9]  }
0x89: {  	s3 =	sld [smem:$0x3FFE];
	_ =	sdelay $0x1  }
0x8a: {  	s1 =	srdreg.scid  }
0x8b: {  	s0 =	sand.u32 $0x1, s1  }
0x8c: {  	s17 =	sshll.u32 s0, $0xA;
	s2 =	sadd.s32 s3, s2  }
0x8d: {  	s2 =	sadd.s32 s2, s17  }
0x8e: {  	[smem:$0x3FC6] =	sst s2  }
0x8f: {  	_ = 	snop  }
0x90: {  	s2 =	sld [smem:$0x3FC9]  }
0x91: {  	s18 =	sld [smem:$0x3FD0];
	(tm) =	ssettm $0x1  }
0x92: {  	s4 =	sld [smem:$0x3FFB];
	_ =	sdelay $0x3  }
0x93: {  	_ =	strace s4  }
0x94: {  	s4 =	sld [smem:$0x3FFC];
	_ =	sdelay $0x3  }
0x95: {  	_ =	strace s4  }
0x96: {  	s4 =	sld [smem:$0x3FFD];
	_ =	sdelay $0x3  }
0x97: {  	_ =	strace s4  }
0x98: {  	_ =	strace $0x8FFFFFFF  }
0x99: {  	s19 =	sld [smem:$0x3FDB];
	_ =	sdelay $0x1  }
0x9a: {  	s5 =	simm.s32 $_scs_section_size  }
0x9b: {  	s6 =	simm.s32 $_size__tile_overlayer_lowered;
	s7 =	simm.s32 $_tile_overlayer_lowered  }
0x9c: {  	s22 =	simm.s32 $0x1BFF;
	s21 =	sshll.u32 s7, $0x1;
	s4 =	sadd.s32 s5, s19  }
0x9d: {  	s8 =	simm.s32 $0x0;
	s20 =	sshll.u32 s6, $0x1;
	s6 =	sadd.s32 s21, s4  }
0x9e: {  	[timem:s8], [sflag:s22] =	dma.local [hbm:s6], s20  }
0x9f: {  	_ =	swait.ge [sflag:s22], s20  }
0xa0: {  	s5 =	ssub.s32 $0x0, s20;
	[sflag:s22] =	ssyncset.done $0x0  }
0xa1: {  	[sflag:s22] =	ssyncadd.s32 s5;
	_ =	sdelay $0x1  }
0xa2: {  	s23 =	simm.s32 $0x1B8B  }
0xa3: {  	_ =	swait.ge [sflag:s23], $0x1  }
0xa4: {  	[sflag:s23] =	ssyncset.done $0x0  }
0xa5: {  	s25 =	simm.s32 $0x1B8E;
	s24 =	sld [smem:$0x3FFE];
	[sflag:s23] =	ssyncadd.s32 $0xFFFFFFFF  }
0xa6: {  	s26 =	simm.s32 $execute0_lowered;
	[smem:$0x3FD2] =	sst s25  }
0xa7: {  	s6 =	sshll.u32 s26, $0x1;
	_ =	strace $0x80000046;
	[dreg:$0x1] =	wrdreg $0xFFFFFFFF  }
0xa8: {  	s28 =	simm.s32 $_size_execute0_lowered;
	s4 =	sadd.s32 s4, s6;
	[dreg:$0x0] =	wrdreg $0x0  }
0xa9: {  	s6 =	sshll.u32 s28, $0x1;
	[dreg:$0x2] =	wrdreg s4  }
0xaa: {  	[dreg:$0x3] =	wrdreg s6  }
0xab: {  	[dreg:$0x4] =	wrdreg $0xC0  }
0xac: {  	_ =	task [dreg:s8], $0x5FFFF  }
0xad: {  	[dreg:$0x1] =	wrdreg $0xFFFFFFFF  }
0xae: {  	[dreg:$0x0] =	wrdreg $0x60  }
0xaf: {  	[dreg:$0x2] =	wrdreg s2  }
0xb0: {  	[dreg:$0x3] =	wrdreg s24  }
0xb1: {  	[dreg:$0x4] =	wrdreg s18  }
0xb2: {  	[dreg:$0x5] =	wrdreg $0x9  }
0xb3: {  	_ =	task.clear_ibuf [dreg:s8], $0x6FFFF;
	_ =	strace $0x90000046  }
0xb4: {  	s29 =	simm.s32 $0x9;
	_ =	strace $0x80000048  }
0xb5: {  	_ =	swait.ge [sflag:s29], $0x1  }
0xb6: {  	[sflag:s29] =	ssyncadd.s32 $0xFFFFFFFF  }
0xb7: {  	_ =	strace $0x90000048  }
0xb8: {  	_ =	sfence  }
0xb9: {  	s30 =	sld [smem:$0x0];
	_ =	sdelay $0x2  }
0xba: {  	s31 =	sshll.u32 s1, $0xD;
	s1 =	sshrl.u32 s1, $0x2  }
0xbb: {  	s3 =	sand.u32 $0x4000, s31;
	s1 =	sadd.s32 s1, s30  }
0xbc: {  	s0 =	sor.u32 s3, s0;
	s1 =	sshll.u32 s1, $0x11  }
0xbd: {  	s0 =	sor.u32 s1, s0  }
0xbe: {  	s0 =	sadd.s32 $0x8F2B, s0  }
0xbf: {  	[sflag:s0] =	ssyncadd.remote.s32 $0x1  }
0xc0: {  	_ =	sfence.sel $0xFFFF  }
0xc1: {  	[dreg:$0x0] =	wrdreg $0xFFFFFFFF;
	(pc) =	sbr.abs _section_cstart, $3  }
0xc2: {  	[dreg:$0x1] =	wrdreg $0xFFFFFFFF  }
0xc3: {  	_ =	task.clear_ibuf [dreg:s8], $0x2FFFF;
	_ =	strace $0x9FFFFFFF  }
0xc4: {  	(tm) =	ssettm $0x7FFFFFFF  }
0xc5: {  	_ =	shalt  }
tec
execute0_lowered:
.L_overlay_start_1:
0x0: {  	(tag) =	ssettag $0x1  }
0x1: {  	s0 =	rddreg [dreg:$0x0]  }
0x2: {  	s1 =	srdreg.scid;
	s4 =	rddreg [dreg:$0x1]  }
0x3: {  	s8 =	stileid.u32;
	s2 =	rddreg [dreg:$0x2]  }
0x4: {  	s13 =	simm.s32 $0x5;
	s14 =	simm.s32 $0x80;
	s15 =	simm.s32 $0x6400  }
0x5: {  	s16 =	simm.s32 $0x8400;
	s18 =	simm.s32 $0xA400;
	s20 =	simm.s32 $0xC400  }
0x6: {  	s22 =	simm.s32 $0xE400;
	s29 =	simm.s32 $0x14400;
	s30 =	simm.s32 $0x1  }
0x7: {  	s31 =	simm.s32 $0x3;
	s21 =	simm.s32 $0x2;
	s23 =	simm.s32 $0x4  }
0x8: {  	s17 =	simm.s32 $0x0;
	s1 =	sand.u32 $0x1, s1;
	s3 =	sshll.u32 s8, $0x1  }
0x9: {  	s8 =	smul.u32 $0x320000, s8;
	s4 =	sadd.s32 $0xF42C00, s4;
	s5 =	sor.u32 s1, s3  }
0xa: {  	s3 =	simm.s32 $0x0;
	s24 =	ssub.s32 $0x2, s1;
	s1 =	smul.u32 $0x190000, s1  }
0xb: {  	s6 =	smul.u32 $0xC80, s5;
	[smem:$0x7FF] =	sst s3;
	s9 =	sshrl.u32 s24, $0x1  }
0xc: {  	s7 =	smul.u32 $0x190000, s5;
	_ =	strace $0x80000047;
	s9 =	ssub.s32 s24, s9  }
0xd: {  	s26 =	sadd.s32 s1, s8;
	s24 =	simm.s32 $0x10400;
	s0 =	sadd.s32 s0, s6  }
0xe: {  	s25 =	sshrl.u32 s7, $0x3;
	s6 =	smax.u32 s9, $0x1;
	s1 =	sadd.s32 $0x18000, s26  }
0xf: {  	s11 =	sadd.s32 $0x10000, s26;
	s26 =	simm.s32 $0x12400;
	s7 =	sadd.s32 s2, s25  }
0x10: {  	[dreg:$0x4] =	wrdreg s0;
	s28 =	sshrl.u32 s1, $0x3;
	s8 =	sadd.s32 $0x1000, s7  }
0x11: {  	s9 =	sadd.s32 $0x30000, s7;
	s10 =	sadd.s32 $0x31000, s7;
	s1 =	sadd.s32 s28, s2  }
.LBB2_1:
0x12: {  	s0 =	rddreg [dreg:$0x4]  }
0x13: {  	[tilespmem:s3], [sflag:$0x5] =	stream.linear.gather [hbm4b:s0+s3], $0x6400, $0x38;
	[tilespmem:$0x16400] =	vst v63  }
0x14: {  	_ =	swait.ge [sflag:s13], $0x6400  }
0x15: {  	[sflag:s13] =	ssyncset.done $0x0  }
0x16: {  	[sflag:s13] =	ssyncadd.s32 $0xFFFF9C00  }
0x17: {  	[tilespmem:s15], [sflag:$0x1] =	stream.indirect.gather [hbm4b:s4+s14], $0x40, s3, s14, $0xb8;
	[tilespmem:$0x16400] =	vst v63  }
0x18: {  	_ = 	snop  }
0x19: {  	[tilespmem:s16], [sflag:$0x1] =	stream.indirect.gather [hbm4b:s4+s14], $0x40, s14, s14, $0xb8;
	[tilespmem:$0x16400] =	vst v63  }
0x1a: {  	s19 =	simm.s32 $0x100  }
0x1b: {  	[tilespmem:s18], [sflag:$0x1] =	stream.indirect.gather [hbm4b:s4+s14], $0x40, s19, s14, $0xb8;
	[tilespmem:$0x16400] =	vst v63  }
0x1c: {  	s25 =	simm.s32 $0x180  }
0x1d: {  	[tilespmem:s20], [sflag:$0x1] =	stream.indirect.gather [hbm4b:s4+s14], $0x40, s25, s14, $0xb8;
	[tilespmem:$0x16400] =	vst v63  }
0x1e: {  	s5 =	simm.s32 $0x200  }
0x1f: {  	[tilespmem:s22], [sflag:$0x2] =	stream.indirect.gather [hbm4b:s4+s14], $0x40, s5, s14, $0xb8;
	[tilespmem:$0x16400] =	vst v63  }
0x20: {  	s12 =	simm.s32 $0x280  }
0x21: {  	[tilespmem:s24], [sflag:$0x2] =	stream.indirect.gather [hbm4b:s4+s14], $0x40, s12, s14, $0xb8;
	[tilespmem:$0x16400] =	vst v63  }
0x22: {  	s19 =	simm.s32 $0x300  }
0x23: {  	[tilespmem:s26], [sflag:$0x2] =	stream.indirect.gather [hbm4b:s4+s14], $0x40, s19, s14, $0xb8;
	[tilespmem:$0x16400] =	vst v63  }
0x24: {  	s25 =	simm.s32 $0x380  }
0x25: {  	[tilespmem:s29], [sflag:$0x2] =	stream.indirect.gather [hbm4b:s4+s14], $0x40, s25, s14, $0xb8;
	[tilespmem:$0x16400] =	vst v63  }
0x26: {  	_ =	swait.ge [sflag:s30], $0x8000  }
0x27: {  	[sflag:s30] =	ssyncset.done $0x0  }
0x28: {  	[sflag:s30] =	ssyncadd.s32 $0xFFFF8000  }
0x29: {  	[hbm4b:s7+s3] =	stream.linear.scatter [tilespmem:s15], [sflag:$0x3], $0x8000, $0x38;
	[tilespmem:$0x16400] =	vst v63  }
0x2a: {  	_ =	swait.ge [sflag:s31], $0x8000  }
0x2b: {  	[sflag:s31] =	ssyncset.done $0x0  }
0x2c: {  	s5 =	simm.s32 $0x400;
	[sflag:s31] =	ssyncadd.s32 $0xFFFF8000  }
0x2d: {  	[tilespmem:s15], [sflag:$0x1] =	stream.indirect.gather [hbm4b:s4+s14], $0x40, s5, s14, $0xb8;
	[tilespmem:$0x16400] =	vst v63  }
0x2e: {  	s12 =	simm.s32 $0x480  }
0x2f: {  	[tilespmem:s16], [sflag:$0x1] =	stream.indirect.gather [hbm4b:s4+s14], $0x40, s12, s14, $0xb8;
	[tilespmem:$0x16400] =	vst v63  }
0x30: {  	s19 =	simm.s32 $0x500  }
0x31: {  	[tilespmem:s18], [sflag:$0x1] =	stream.indirect.gather [hbm4b:s4+s14], $0x40, s19, s14, $0xb8;
	[tilespmem:$0x16400] =	vst v63  }
0x32: {  	s25 =	simm.s32 $0x580  }
0x33: {  	[tilespmem:s20], [sflag:$0x1] =	stream.indirect.gather [hbm4b:s4+s14], $0x40, s25, s14, $0xb8;
	[tilespmem:$0x16400] =	vst v63  }
0x34: {  	_ =	swait.ge [sflag:s21], $0x8000  }
0x35: {  	[sflag:s21] =	ssyncset.done $0x0  }
0x36: {  	[sflag:s21] =	ssyncadd.s32 $0xFFFF8000  }
0x37: {  	[hbm4b:s8+s3] =	stream.linear.scatter [tilespmem:s22], [sflag:$0x4], $0x8000, $0x38;
	[tilespmem:$0x16400] =	vst v63  }
0x38: {  	_ =	swait.ge [sflag:s23], $0x8000  }
0x39: {  	[sflag:s23] =	ssyncset.done $0x0  }
0x3a: {  	s12 =	simm.s32 $0x600;
	[sflag:s23] =	ssyncadd.s32 $0xFFFF8000  }
0x3b: {  	[tilespmem:s22], [sflag:$0x2] =	stream.indirect.gather [hbm4b:s4+s14], $0x40, s12, s14, $0xb8;
	[tilespmem:$0x16400] =	vst v63  }
0x3c: {  	s0 =	simm.s32 $0x680  }
0x3d: {  	[tilespmem:s24], [sflag:$0x2] =	stream.indirect.gather [hbm4b:s4+s14], $0x40, s0, s14, $0xb8;
	[tilespmem:$0x16400] =	vst v63  }
0x3e: {  	s5 =	simm.s32 $0x700  }
0x3f: {  	[tilespmem:s26], [sflag:$0x2] =	stream.indirect.gather [hbm4b:s4+s14], $0x40, s5, s14, $0xb8;
	[tilespmem:$0x16400] =	vst v63  }
0x40: {  	s19 =	simm.s32 $0x780  }
0x41: {  	[tilespmem:s29], [sflag:$0x2] =	stream.indirect.gather [hbm4b:s4+s14], $0x40, s19, s14, $0xb8;
	[tilespmem:$0x16400] =	vst v63  }
0x42: {  	_ =	swait.ge [sflag:s30], $0x8000  }
0x43: {  	s25 =	sshrl.u32 s11, $0x3;
	[sflag:s30] =	ssyncset.done $0x0  }
0x44: {  	s12 =	sadd.s32 s2, s25;
	[sflag:s30] =	ssyncadd.s32 $0xFFFF8000  }
0x45: {  	[hbm4b:s12+s3] =	stream.linear.scatter [tilespmem:s15], [sflag:$0x3], $0x8000, $0x38;
	[tilespmem:$0x16400] =	vst v63  }
0x46: {  	_ =	swait.ge [sflag:s31], $0x8000  }
0x47: {  	[sflag:s31] =	ssyncset.done $0x0  }
0x48: {  	s0 =	simm.s32 $0x800;
	[sflag:s31] =	ssyncadd.s32 $0xFFFF8000  }
0x49: {  	[tilespmem:s15], [sflag:$0x1] =	stream.indirect.gather [hbm4b:s4+s14], $0x40, s0, s14, $0xb8;
	[tilespmem:$0x16400] =	vst v63  }
0x4a: {  	s5 =	simm.s32 $0x880  }
0x4b: {  	[tilespmem:s16], [sflag:$0x1] =	stream.indirect.gather [hbm4b:s4+s14], $0x40, s5, s14, $0xb8;
	[tilespmem:$0x16400] =	vst v63  }
0x4c: {  	s19 =	simm.s32 $0x900  }
0x4d: {  	[tilespmem:s18], [sflag:$0x1] =	stream.indirect.gather [hbm4b:s4+s14], $0x40, s19, s14, $0xb8;
	[tilespmem:$0x16400] =	vst v63  }
0x4e: {  	s25 =	simm.s32 $0x980  }
0x4f: {  	[tilespmem:s20], [sflag:$0x1] =	stream.indirect.gather [hbm4b:s4+s14], $0x40, s25, s14, $0xb8;
	[tilespmem:$0x16400] =	vst v63  }
0x50: {  	_ =	swait.ge [sflag:s21], $0x8000  }
0x51: {  	s28 =	sadd.s32 $0x2000, s1;
	s12 =	smov.u32 s1;
	[sflag:s21] =	ssyncset.done $0x0  }
0x52: {  	s19 =	simm.s32 $0x1000;
	s25 =	sadd.s32 $0x10000, s11;
	[sflag:s21] =	ssyncadd.s32 $0xFFFF8000  }
.LBB2_2:
0x53: {  	[hbm4b:s12+s3] =	stream.linear.scatter [tilespmem:s22], [sflag:$0x4], $0x8000, $0x38;
	[tilespmem:$0x16400] =	vst v63  }
0x54: {  	s0 =	smov.u32 s19;
	s12 =	smov.u32 s28  }
0x55: {  	p0 =	sne.s32 s19, $0x16000;
	s19 =	sadd.s32 $0x1000, s19;
	_ =	swait.ge [sflag:s23], $0x8000  }
0x56: {  	s0 =	sshra.s32 s0, $0x2;
	[sflag:s23] =	ssyncset.done $0x0  }
0x57: {  	s5 =	sadd.s32 $0x600, s0;
	[sflag:s23] =	ssyncadd.s32 $0xFFFF8000  }
0x58: {  	[tilespmem:s22], [sflag:$0x2] =	stream.indirect.gather [hbm4b:s4+s14], $0x40, s5, s14, $0xb8;
	[tilespmem:$0x16400] =	vst v63  }
0x59: {  	s5 =	sadd.s32 $0x680, s0  }
0x5a: {  	[tilespmem:s24], [sflag:$0x2] =	stream.indirect.gather [hbm4b:s4+s14], $0x40, s5, s14, $0xb8;
	[tilespmem:$0x16400] =	vst v63  }
0x5b: {  	s5 =	sadd.s32 $0x700, s0  }
0x5c: {  	[tilespmem:s26], [sflag:$0x2] =	stream.indirect.gather [hbm4b:s4+s14], $0x40, s5, s14, $0xb8;
	[tilespmem:$0x16400] =	vst v63  }
0x5d: {  	s5 =	sadd.s32 $0x780, s0  }
0x5e: {  	[tilespmem:s29], [sflag:$0x2] =	stream.indirect.gather [hbm4b:s4+s14], $0x40, s5, s14, $0xb8;
	[tilespmem:$0x16400] =	vst v63  }
0x5f: {  	_ =	swait.ge [sflag:s30], $0x8000  }
0x60: {  	s5 =	sshrl.u32 s25, $0x3;
	[sflag:s30] =	ssyncset.done $0x0  }
0x61: {  	s5 =	sadd.s32 s2, s5;
	[sflag:s30] =	ssyncadd.s32 $0xFFFF8000  }
0x62: {  	[hbm4b:s5+s3] =	stream.linear.scatter [tilespmem:s15], [sflag:$0x3], $0x8000, $0x38;
	[tilespmem:$0x16400] =	vst v63  }
0x63: {  	_ =	swait.ge [sflag:s31], $0x8000  }
0x64: {  	[sflag:s31] =	ssyncset.done $0x0  }
0x65: {  	s5 =	sadd.s32 $0x800, s0;
	[sflag:s31] =	ssyncadd.s32 $0xFFFF8000  }
0x66: {  	[tilespmem:s15], [sflag:$0x1] =	stream.indirect.gather [hbm4b:s4+s14], $0x40, s5, s14, $0xb8;
	[tilespmem:$0x16400] =	vst v63  }
0x67: {  	s5 =	sadd.s32 $0x880, s0  }
0x68: {  	[tilespmem:s16], [sflag:$0x1] =	stream.indirect.gather [hbm4b:s4+s14], $0x40, s5, s14, $0xb8;
	[tilespmem:$0x16400] =	vst v63  }
0x69: {  	s5 =	sadd.s32 $0x900, s0  }
0x6a: {  	[tilespmem:s18], [sflag:$0x1] =	stream.indirect.gather [hbm4b:s4+s14], $0x40, s5, s14, $0xb8;
	[tilespmem:$0x16400] =	vst v63  }
.Ltmp0:
0x6b: {  	s0 =	sadd.s32 $0x980, s0;
	(pc) =	sbr.rel @p0 .LBB2_2-.Ltmp0, $4  }
0x6c: {  	[tilespmem:s20], [sflag:$0x1] =	stream.indirect.gather [hbm4b:s4+s14], $0x40, s0, s14, $0xb8;
	[tilespmem:$0x16400] =	vst v63  }
0x6d: {  	_ =	swait.ge [sflag:s21], $0x8000  }
0x6e: {  	[sflag:s21] =	ssyncset.done $0x0  }
0x6f: {  	s28 =	sadd.s32 $0x2000, s28;
	s25 =	sadd.s32 $0x10000, s25;
	[sflag:s21] =	ssyncadd.s32 $0xFFFF8000  }
0x70: {  	[hbm4b:s12+s3] =	stream.linear.scatter [tilespmem:s22], [sflag:$0x4], $0x8000, $0x38;
	[tilespmem:$0x16400] =	vst v63  }
0x71: {  	_ =	swait.ge [sflag:s23], $0x8000  }
0x72: {  	[sflag:s23] =	ssyncset.done $0x0  }
0x73: {  	s0 =	simm.s32 $0x6200;
	[sflag:s23] =	ssyncadd.s32 $0xFFFF8000  }
0x74: {  	[tilespmem:s22], [sflag:$0x2] =	stream.indirect.gather [hbm4b:s4+s14], $0x40, s0, s14, $0xb8;
	[tilespmem:$0x16400] =	vst v63  }
0x75: {  	s19 =	simm.s32 $0x6280  }
0x76: {  	[tilespmem:s24], [sflag:$0x2] =	stream.indirect.gather [hbm4b:s4+s14], $0x40, s19, s14, $0xb8;
	[tilespmem:$0x16400] =	vst v63  }
0x77: {  	s25 =	simm.s32 $0x6300  }
0x78: {  	[tilespmem:s26], [sflag:$0x2] =	stream.indirect.gather [hbm4b:s4+s14], $0x40, s25, s14, $0xb8;
	[tilespmem:$0x16400] =	vst v63  }
0x79: {  	s28 =	simm.s32 $0x6380  }
0x7a: {  	[tilespmem:s29], [sflag:$0x2] =	stream.indirect.gather [hbm4b:s4+s14], $0x40, s28, s14, $0xb8;
	[tilespmem:$0x16400] =	vst v63  }
0x7b: {  	_ =	swait.ge [sflag:s30], $0x8000  }
0x7c: {  	[sflag:s30] =	ssyncset.done $0x0  }
0x7d: {  	[sflag:s30] =	ssyncadd.s32 $0xFFFF8000  }
0x7e: {  	[hbm4b:s9+s3] =	stream.linear.scatter [tilespmem:s15], [sflag:$0x3], $0x8000, $0x38;
	[tilespmem:$0x16400] =	vst v63  }
0x7f: {  	_ =	swait.ge [sflag:s21], $0x8000  }
0x80: {  	[sflag:s21] =	ssyncset.done $0x0  }
0x81: {  	s17 =	sadd.s32 $0x1, s17;
	[sflag:s21] =	ssyncadd.s32 $0xFFFF8000  }
0x82: {  	[hbm4b:s10+s3] =	stream.linear.scatter [tilespmem:s22], [sflag:$0x4], $0x8000, $0x38;
	[tilespmem:$0x16400] =	vst v63  }
0x83: {  	p0 =	sne.s32 s17, s6;
	_ =	swait.ge [sflag:s31], $0x8000  }
.Ltmp1:
0x84: {  	[sflag:s31] =	ssyncset.done $0x0;
	(pc) =	sbr.rel @p0 .LBB2_1-.Ltmp1, $4  }
0x85: {  	[sflag:s31] =	ssyncadd.s32 $0xFFFF8000  }
0x86: {  	_ =	swait.ge [sflag:s23], $0x8000  }
0x87: {  	[sflag:s23] =	ssyncset.done $0x0  }
0x88: {  	[sflag:s23] =	ssyncadd.s32 $0xFFFF8000  }
0x89: {  	_ =	sfence.sel $0x180000  }
0x8a: {  	[bflag:$0x0] =	sbarrier.arrive $0xFFFF  }
0x8b: {  	_ =	strace $0x90000047  }
0x8c: {  	s0 =	stileid.u32;
	[bflag:$0x2] =	sbarrier.arrive $0xFFFF  }
0x8d: {  	p0 =	sne.s32 s0, $0x0;
	s0 =	rddreg [dreg:$0x3]  }
0x8e: {  	s0 =	sadd.s32 @!p0 $0x100000, s0  }
0x8f: {  	[sflag:s0] =	ssyncadd.tile.s32 @!p0 $0x1;
	_ =	shalt  }
.Lfunc_end2:
_tile_overlayer_lowered:
.L_overlay_start_2:
0x90: {  	(tag) =	ssettag $0x2  }
0x91: {  	s0 =	rddreg [dreg:$0x0];
	s2 =	stileid.u32  }
0x92: {  	s1 =	rddreg [dreg:$0x1];
	p0 =	sne.s32 s2, $0x0  }
0x93: {  	s3 =	rddreg [dreg:$0x2];
	[bflag:$0x3] =	sbarrier.arrive $0xFFFF;
	s2 =	simm.s32 @!p0 $0x1C05  }
0x94: {  	[timem:s3], [sflag:s2] =	dma.local @!p0 [hbm:s0], s1  }
0x95: {  	s0 =	simm.s32 @!p0 $0x5  }
0x96: {  	_ =	swait.ge @!p0 [sflag:s0], s1  }
0x97: {  	s1 =	ssub.s32 @!p0 $0x0, s1;
	[sflag:s0] =	ssyncset.done @!p0 $0x0  }
0x98: {  	[sflag:s0] =	ssyncadd.s32 @!p0 s1  }
0x99: {  	[bflag:$0x3] =	sbarrier.arrive $0xFFFF  }
0x9a: {  	_ =	shalt  }

// kernel: sparse-core-data-format-call.cloned.1.call-start
scs
called_computation_lowered:
.L_overlay_start_0:
0x0: {  	s2 =	sld [smem:$0x3FD9]  }
0x1: {  	s3 =	sld [smem:$0x3FFE];
	_ =	sdelay $0x1  }
0x2: {  	s1 =	srdreg.scid  }
0x3: {  	s0 =	sand.u32 $0x1, s1  }
0x4: {  	s18 =	sshll.u32 s0, $0xA;
	s2 =	sadd.s32 s3, s2  }
0x5: {  	s2 =	sadd.s32 s2, s18  }
0x6: {  	[smem:$0x3FC6] =	sst s2  }
0x7: {  	_ = 	snop  }
0x8: {  	s2 =	sld [smem:$0x3FD0];
	(tm) =	ssettm $0x1  }
0x9: {  	s19 =	sld [smem:$0x3FFB];
	_ =	sdelay $0x3  }
0xa: {  	_ =	strace s19  }
0xb: {  	s3 =	sld [smem:$0x3FFC];
	_ =	sdelay $0x3  }
0xc: {  	_ =	strace s3  }
0xd: {  	s3 =	sld [smem:$0x3FFD];
	_ =	sdelay $0x3  }
0xe: {  	_ =	strace s3  }
0xf: {  	_ =	strace $0x8FFFFFFF  }
0x10: {  	s20 =	sld [smem:$0x3FDB];
	_ =	sdelay $0x1  }
0x11: {  	s4 =	simm.s32 $_scs_section_size  }
0x12: {  	s5 =	simm.s32 $_size__tile_overlayer_lowered;
	s6 =	simm.s32 $_tile_overlayer_lowered  }
0x13: {  	s23 =	simm.s32 $0x1BFF;
	s22 =	sshll.u32 s6, $0x1;
	s3 =	sadd.s32 s4, s20  }
0x14: {  	s7 =	simm.s32 $0x0;
	s21 =	sshll.u32 s5, $0x1;
	s5 =	sadd.s32 s22, s3  }
0x15: {  	[timem:s7], [sflag:s23] =	dma.local [hbm:s5], s21  }
0x16: {  	_ =	swait.ge [sflag:s23], s21  }
0x17: {  	s4 =	ssub.s32 $0x0, s21;
	[sflag:s23] =	ssyncset.done $0x0  }
0x18: {  	[sflag:s23] =	ssyncadd.s32 s4;
	_ =	sdelay $0x1  }
0x19: {  	s24 =	simm.s32 $0x1B8B  }
0x1a: {  	_ =	swait.ge [sflag:s24], $0x1  }
0x1b: {  	[sflag:s24] =	ssyncset.done $0x0  }
0x1c: {  	s26 =	simm.s32 $0x1B8E;
	s25 =	sld [smem:$0x3FFE];
	[sflag:s24] =	ssyncadd.s32 $0xFFFFFFFF  }
0x1d: {  	s27 =	simm.s32 $execute0_lowered;
	[smem:$0x3FD2] =	sst s26  }
0x1e: {  	s5 =	sshll.u32 s27, $0x1;
	_ =	strace $0x80000049;
	[dreg:$0x1] =	wrdreg $0xFFFFFFFF  }
0x1f: {  	s28 =	simm.s32 $_size_execute0_lowered;
	s3 =	sadd.s32 s3, s5;
	[dreg:$0x0] =	wrdreg $0x0  }
0x20: {  	s5 =	sshll.u32 s28, $0x1;
	[dreg:$0x2] =	wrdreg s3  }
0x21: {  	[dreg:$0x3] =	wrdreg s5  }
0x22: {  	[dreg:$0x4] =	wrdreg $0xC0  }
0x23: {  	_ =	task [dreg:s7], $0x5FFFF  }
0x24: {  	[dreg:$0x1] =	wrdreg $0xFFFFFFFF  }
0x25: {  	[dreg:$0x0] =	wrdreg $0x60  }
0x26: {  	[dreg:$0x2] =	wrdreg s25  }
0x27: {  	[dreg:$0x3] =	wrdreg s2  }
0x28: {  	[dreg:$0x4] =	wrdreg $0x9  }
0x29: {  	_ =	task.clear_ibuf [dreg:s7], $0x5FFFF;
	_ =	strace $0x90000049  }
0x2a: {  	s29 =	simm.s32 $0x9;
	_ =	strace $0x8000004B  }
0x2b: {  	_ =	swait.ge [sflag:s29], $0x1  }
0x2c: {  	[sflag:s29] =	ssyncadd.s32 $0xFFFFFFFF  }
0x2d: {  	_ =	strace $0x9000004B  }
0x2e: {  	_ =	sfence  }
0x2f: {  	s30 =	sld [smem:$0x0];
	_ =	sdelay $0x2  }
0x30: {  	s31 =	sshll.u32 s1, $0xD;
	s1 =	sshrl.u32 s1, $0x2  }
0x31: {  	s3 =	sand.u32 $0x4000, s31;
	s1 =	sadd.s32 s1, s30  }
0x32: {  	s0 =	sor.u32 s3, s0;
	s1 =	sshll.u32 s1, $0x11  }
0x33: {  	s0 =	sor.u32 s1, s0  }
0x34: {  	s0 =	sadd.s32 $0x8F2B, s0  }
0x35: {  	[sflag:s0] =	ssyncadd.remote.s32 $0x1  }
0x36: {  	_ =	sfence.sel $0xFFFF  }
0x37: {  	[dreg:$0x0] =	wrdreg $0xFFFFFFFF;
	(pc) =	sbr.abs _section_cstart, $3  }
0x38: {  	[dreg:$0x1] =	wrdreg $0xFFFFFFFF  }
0x39: {  	_ =	task.clear_ibuf [dreg:s7], $0x2FFFF;
	_ =	strace $0x9FFFFFFF  }
0x3a: {  	(tm) =	ssettm $0x7FFFFFFF  }
0x3b: {  	_ =	shalt  }
tec
execute0_lowered:
.L_overlay_start_1:
0x0: {  	(tag) =	ssettag $0x1  }
0x1: {  	s0 =	srdreg.scid  }
0x2: {  	s1 =	sshll.u32 s0, $0x4  }
0x3: {  	s4 =	rddreg [dreg:$0x0];
	s0 =	stileid.u32;
	s1 =	sand.u32 $0x10, s1  }
0x4: {  	s2 =	rddreg [dreg:$0x1];
	s7 =	simm.s32 $0x1;
	s1 =	sor.u32 s0, s1  }
0x5: {  	s8 =	simm.s32 $0x2;
	s11 =	simm.s32 $0x0;
	s3 =	sshll.u32 s1, $0x7  }
0x6: {  	s10 =	simm.s32 $0x0;
	s4 =	sadd.s32 $0x800, s4;
	s6 =	ssub.s32 $0xC8000, s3  }
.Ltmp0:
0x7: {  	s1 =	rddreg [dreg:$0x2];
	s5 =	sand.u32 $0xF80, s6;
	(pc) =	sbr.rel .LBB1_1-.Ltmp0, $4  }
0x8: {  	_ =	strace $0x8000004A;
	s9 =	smov.u32 s3;
	p0 =	sne.s32 s5, $0x0  }
0x9: {  	s6 =	sshrl.u32 s6, $0xC;
	s5 =	simm.s32 $0x1;
	s7 =	simm.s32 @!p0 $0x0  }
0xa: {  	[sflag:s5] =	ssyncpa.u1 $0x0;
	p0 =	por $0x0, $0x0;
	s6 =	sadd.s32 s7, s6  }
0xb: {  	[sflag:s8] =	ssyncpa.u1 $0x0;
	s8 =	simm.s32 $0x640000;
	s7 =	sadd.s32 $0x1, s6  }
.LBB1_4:
0xc: {  	s14 =	sshll.u32 s11, $0x3  }
0xd: {  	s30 =	sand.u32 $0x7F, s11;
	s15 =	sand.u32 $0xFFFFFC00, s14  }
0xe: {  	s11 =	sor.u32 s30, s15  }
0xf: {  	s15 =	smulhi.u32 $0x51EB851F, s11  }
0x10: {  	s14 =	smulhi.u32 $0x51EB851F, s14  }
0x11: {  	s15 =	sshrl.u32 s15, $0x12  }
0x12: {  	s14 =	sshrl.u32 s14, $0x12;
	s15 =	smul.u32 $0xC8000, s15  }
0x13: {  	s14 =	sand.u32 $0x3F, s14  }
0x14: {  	s14 =	smul.u32 $0x19000, s14;
	s11 =	ssub.s32 s11, s15  }
0x15: {  	[tilespmem:s13+$0x810 ss:$0x81] =	vst.msk $0xffff, v2;
	s15 =	sand.u32 $0x7, s11  }
0x16: {  	[tilespmem:s13+$0x1020 ss:$0x81] =	vst.msk $0xffff, v0;
	s14 =	sadd.s32 s2, s14;
	s11 =	sshrl.u32 s11, $0x3;
	s15 =	sshll.u32 s15, $0x12  }
0x17: {  	[tilespmem:s13+$0x0 ss:$0x81] =	vst.msk $0xffff, v1;
	s11 =	sadd.s32 s11, s14;
	s31 =	sor.u32 $0x400, s15  }
0x18: {  	[hbm4b:s11+s31] =	stream.strided.scatter [tilespmem:s12], [sflag:$0x2], $0x2000, s8, s31, $0x20;
	[tilespmem:$0x8080] =	vst v63  }
.LBB1_5:
0x19: {  	s13 =	sadd.s32 $0x1000, s9  }
0x1a: {  	p2 =	sgt.s32 s13, $0xC7FFF  }
0x1b: {  	s13 =	smov.u32 @p2 s3;
	p2 =	sne.s32 s10, s7  }
.Ltmp1:
0x1c: {  	p1 =	slt.u32 s10, $0x2;
	(pc) =	sbr.rel @!p2 .LBB1_6-.Ltmp1, $4  }
0x1d: {  	s12 =	simm.s32 @!p1 $0x2  }
0x1e: {  	s14 =	sadd.s32 $0x1, s10;
	_ =	swait.ge @!p1 [sflag:s12], $0x2000  }
0x1f: {  	s11 =	smov.u32 s9;
	p0 =	por !p0, !p0;
	[sflag:s12] =	ssyncset.done @!p1 $0x0  }
0x20: {  	s10 =	smov.u32 s14;
	s9 =	smov.u32 s13;
	[sflag:s12] =	ssyncadd.s32 @!p1 $0xFFFFE000  }
.LBB1_1:
0x21: {  	p1 =	sge.u32 s10, s6  }
0x22: {  	s12 =	sand.u32 @!p1 $0x1FFFFFF, s9  }
0x23: {  	s13 =	smulhi.u32 @!p1 $0x147AE15, s12;
	_ =	sdelay $0x1  }
0x24: {  	s13 =	sshrl.u32 @!p1 s13, $0xC  }
0x25: {  	s13 =	smul.u32 @!p1 $0xC8000, s13;
	_ =	sdelay $0x1  }
0x26: {  	s31 =	sadd.s32 $0xFFFFFFFF, s10;
	s14 =	sxor.u32 @!p1 $0xFFFFFFFF, s10;
	s12 =	ssub.s32 @!p1 s12, s13  }
0x27: {  	s15 =	simm.s32 @!p1 $0x80;
	s14 =	sshll.u32 @!p1 s14, $0xD;
	s12 =	sshll.u32 @!p1 s12, $0x4  }
0x28: {  	s13 =	sand.u32 @!p1 $0x2000, s14;
	s14 =	simm.s32 @!p1 $0x40;
	s12 =	sadd.s32 @!p1 s4, s12  }
0x29: {  	[tilespmem:s13], [sflag:$0x1] =	stream.strided.gather @!p1 [hbm4b:s12+s14], $0x2000, s15, s14, $0x38;
	[tilespmem:$0x8080] =	vst v63  }
0x2a: {  	p1 =	sge.u32 s31, s6  }
.Ltmp2:
0x2b: {  	_ = 	snop;
	(pc) =	sbr.rel @p1 .LBB1_5-.Ltmp2, $1  }
0x2c: {  	_ =	sdelay $0x3  }
0x2d: {  	s12 =	simm.s32 $0x1  }
0x2e: {  	_ =	swait.ge [sflag:s5], $0x2000;
	s12 =	simm.s32 @!p0 $0x0  }
0x2f: {  	[sflag:s5] =	ssyncset.done $0x0;
	s13 =	sshll.u32 s12, $0xD  }
0x30: {  	[sflag:s5] =	ssyncadd.s32 $0xFFFFE000;
	s16 =	sor.u32 $0x20, s13  }
0x31: {  	s12 =	smul.u32 $0x8100, s12;
	v3 =	vld [tilespmem:s16+$0x10]  }
0x32: {  	s30 =	sand.u32 $0x1, s10;
	v2 =	vld [tilespmem:s16+$0xFFFFFFF0]  }
0x33: {  	s13 =	smul.u32 $0x8100, s30;
	s12 =	sshrl.u32 s12, $0x2;
	v0 =	vld [tilespmem:s16+$0x0]  }
0x34: {  	v1 =	vld [tilespmem:s16+$0xFFFFFFE0];
	s14 =	sor.u32 $0x4000, s12  }
0x35: {  	s31 =	sshrl.u32 s13, $0x2;
	s13 =	sadd.s32 $0x0, s14  }
0x36: {  	s15 =	simm.s32 $0x4;
	s16 =	sadd.s32 $0x40, s16;
	s12 =	sor.u32 $0x4000, s31;
	[tilespmem:s13+$0x1830 ss:$0x81] =	vst.msk $0xffff, v3  }
.LBB1_3:
0x37: {  	v3 =	vld [tilespmem:s16+$0x10];
	p1 =	sne.s32 s15, $0x1FC;
	[tilespmem:s13+$0x810 ss:$0x81] =	vst.msk $0xffff, v2;
	s17 =	smov.u32 s15;
	s15 =	sadd.s32 $0x4, s15  }
.Ltmp3:
0x38: {  	v2 =	vld [tilespmem:s16+$0xFFFFFFF0];
	[tilespmem:s13+$0x1020 ss:$0x81] =	vst.msk $0xffff, v0;
	(pc) =	sbr.rel @p1 .LBB1_3-.Ltmp3, $4  }
0x39: {  	v0 =	vld [tilespmem:s16+$0x0];
	[tilespmem:s13+$0x0 ss:$0x81] =	vst.msk $0xffff, v1  }
0x3a: {  	s13 =	sshra.s32 s17, $0x2;
	v1 =	vld [tilespmem:s16+$0xFFFFFFE0]  }
0x3b: {  	s13 =	sadd.s32 s13, s14  }
0x3c: {  	s16 =	sadd.s32 $0x40, s16;
	[tilespmem:s13+$0x1830 ss:$0x81] =	vst.msk $0xffff, v3  }
.Ltmp4:
0x3d: {  	_ = 	snop;
	(pc) =	sbr.rel .LBB1_4-.Ltmp4, $1  }
0x3e: {  	_ =	sdelay $0x3  }
.LBB1_6:
0x3f: {  	_ =	sfence.sel $0x180000  }
0x40: {  	s2 =	simm.s32 $0x1;
	[bflag:$0x0] =	sbarrier.arrive $0xFFFF  }
0x41: {  	s31 =	simm.s32 $0x2;
	[sflag:s2] =	ssyncpa.u1 $0x1  }
0x42: {  	[sflag:s31] =	ssyncpa.u1 $0x1  }
0x43: {  	p0 =	sne.s32 s0, $0x0;
	_ =	strace $0x9000004A  }
0x44: {  	s0 =	sadd.s32 @!p0 $0x100000, s1;
	[bflag:$0x2] =	sbarrier.arrive $0xFFFF  }
0x45: {  	[sflag:s0] =	ssyncadd.tile.s32 @!p0 $0x1;
	_ =	shalt  }
.Lfunc_end1:
_tile_overlayer_lowered:
.L_overlay_start_2:
0x46: {  	(tag) =	ssettag $0x2  }
0x47: {  	s0 =	rddreg [dreg:$0x0];
	s2 =	stileid.u32  }
0x48: {  	s1 =	rddreg [dreg:$0x1];
	p0 =	sne.s32 s2, $0x0  }
0x49: {  	s3 =	rddreg [dreg:$0x2];
	[bflag:$0x3] =	sbarrier.arrive $0xFFFF;
	s2 =	simm.s32 @!p0 $0x1C01  }
0x4a: {  	[timem:s3], [sflag:s2] =	dma.local @!p0 [hbm:s0], s1  }
0x4b: {  	s0 =	simm.s32 @!p0 $0x1  }
0x4c: {  	_ =	swait.ge @!p0 [sflag:s0], s1  }
0x4d: {  	s1 =	ssub.s32 @!p0 $0x0, s1;
	[sflag:s0] =	ssyncset.done @!p0 $0x0  }
0x4e: {  	[sflag:s0] =	ssyncadd.s32 @!p0 s1  }
0x4f: {  	[bflag:$0x3] =	sbarrier.arrive $0xFFFF  }
0x50: {  	_ =	shalt  }

</sc_bundles>
